<compile_context>
chip_gen: v7x
topology: tpu7x:2x2x1
jax: 0.10.2.dev20260603
libtpu: 0.0.44.dev20260713+nightly
codegen_flags: <defaults>
</compile_context>

<pallas_src>
import functools

import jax
import jax.numpy as jnp
from jax import lax
from jax.experimental import pallas as pl
from jax.experimental.pallas import tpu as pltpu
from jax.experimental.pallas import tpu_sc as plsc

B, N, T = 16, 4096, 8
NC, NS = 2, 16
NW = NC * NS
PAIRS = B * T
PPW = PAIRS // NW
NBLK = N // 128

_mesh = plsc.VectorSubcoreMesh(core_axis_name="c", subcore_axis_name="s")


@functools.partial(
    pl.kernel,
    out_type=jax.ShapeDtypeStruct((B, T, N), jnp.float32),
    mesh=_mesh,
    scratch_types=[
        pltpu.VMEM((2, 200, 200), jnp.float32),
        pltpu.VMEM((2, NBLK, 2, 128), jnp.float32),
        pltpu.VMEM((2, N), jnp.float32),
        pltpu.SemaphoreType.DMA,
        pltpu.SemaphoreType.DMA,
    ],
    compiler_params=pltpu.CompilerParams(needs_layout_passes=False),
)
def _sc_gather(trajs_hbm, c_hbm, out_hbm, map_v, xy_v, o_v, ldsem, stsem):
    cid = lax.axis_index("c")
    sid = lax.axis_index("s")
    wid = sid * NC + cid
    pair0 = wid * PPW

    def start_load(q, slot):
        pair = pair0 + q
        b = pair // T
        t = pair % T
        pltpu.make_async_copy(c_hbm.at[b, t], map_v.at[slot], ldsem).start()
        pltpu.make_async_copy(trajs_hbm.at[b, t], xy_v.at[slot], ldsem).start()

    def wait_load(slot):
        pltpu.make_async_copy(
            c_hbm.at[0, 0], map_v.at[slot], ldsem).wait()
        pltpu.make_async_copy(
            trajs_hbm.at[0, 0], xy_v.at[slot], ldsem).wait()

    start_load(0, 0)

    def one_pair(q, _):
        slot = q & 1
        pair = pair0 + q
        b = pair // T
        t = pair % T
        wait_load(slot)

        @pl.when(q + 1 < PPW)
        def _():
            start_load(q + 1, (q + 1) & 1)

        @pl.when(q >= 2)
        def _():
            pltpu.make_async_copy(o_v.at[slot], out_hbm.at[0, 0], stsem).wait()

        @plsc.parallel_loop(0, N // 16, 1, unroll=2)
        def grp(i):
            j = i // 8
            koff = (i % 8) * 16
            gx = xy_v[slot, j, 0, pl.ds(koff, 16)]
            gy = xy_v[slot, j, 1, pl.ds(koff, 16)]
            xi = jnp.clip((gx + 49.75) * 2.0, 0.0, 199.0).astype(jnp.int32)
            yi = jnp.clip((gy + 49.75) * 2.0, 0.0, 199.0).astype(jnp.int32)
            o_v[slot, pl.ds(i * 16, 16)] = plsc.load_gather(
                map_v.at[slot], [yi, xi])

        pltpu.make_async_copy(o_v.at[slot], out_hbm.at[b, t], stsem).start()
        return 0

    lax.fori_loop(0, PPW, one_pair, 0)

    pltpu.make_async_copy(o_v.at[0], out_hbm.at[0, 0], stsem).wait()
    pltpu.make_async_copy(o_v.at[1], out_hbm.at[0, 0], stsem).wait()


def kernel(trajs, C):
    tt = trajs.transpose(0, 2, 1, 3).reshape(B, T, NBLK, 128, 2)
    tt = tt.transpose(0, 1, 2, 4, 3)
    out = _sc_gather(tt, C)
    return out.transpose(0, 2, 1)

# --- scband reference (transcript-rebuilt; emitter-appended) ---
"""Pipeline reference for scband-base-cost-39170101739567 (READ-ONLY COPY).

The authoritative reference and input builder live on the scoring server;
editing this copy changes nothing except your own understanding.
"""

import jax, jax.numpy as jnp
import numpy as np

# gen_dx_bx with X_BOUND=Y_BOUND=[-50,50,0.5]: dx=[0.5,0.5], bx=[-49.75,-49.75]
DX = jnp.array([0.5, 0.5], dtype=jnp.float32)
BX = jnp.array([-49.75, -49.75], dtype=jnp.float32)
BEV_DIM = (200, 200)


def setup_inputs(seed: int = 0) -> dict:
    key = jax.random.key(seed)
    k1, k2 = jax.random.split(key)
    # scale trajs so discretized indices spread across the 200x200 grid (meters in [-~90,90], clamped)
    trajs = jax.random.normal(k1, (16, 4096, 8, 2), dtype=jnp.float32) * 30.0
    C = jax.random.normal(k2, (16, 8, 200, 200), dtype=jnp.float32)
    return {"trajs": trajs, "C": C}


def reference(trajs, C):
    # BaseCost.evaluate: discretize trajectories then gather cost-map values
    B, N, n_future, _ = trajs.shape
    xx = trajs[:, :, :, 0]
    yy = trajs[:, :, :, 1]
    # discretize (torch .long() truncates toward zero; identical after clamp to [0,199])
    yi = jnp.clip(((yy - BX[0]) / DX[0]).astype(jnp.int32), 0, BEV_DIM[0] - 1)
    xi = jnp.clip(((xx - BX[1]) / DX[1]).astype(jnp.int32), 0, BEV_DIM[1] - 1)
    ii = jnp.arange(B)
    ti = jnp.arange(n_future)
    # fancy-indexed gather: C[B, n_future, 200, 200] -> CS[B, N, n_future]
    CS = C[ii[:, None, None], ti[None, None, :], yi, xi]
    return CS

if __name__ == "__main__":
    import jax
    _d = setup_inputs()
    print(jax.jit(kernel)(*tuple(_d.values())))

</pallas_src>

<mosaic_0001>
#map = affine_map<(d0, d1) -> (0, 0, 0, 0, 0)>
#map1 = affine_map<(d0, d1) -> (0, 0, 0, 0)>
#map2 = affine_map<(d0, d1) -> (0, 0, 0)>
module attributes {stable_mosaic.version = 14 : i64} {
  func.func @_sc_gather(%arg0: i32, %arg1: i32, %arg2: memref<16x8x32x2x128xf32, #tpu.memory_space<hbm>>, %arg3: memref<16x8x200x200xf32, #tpu.memory_space<hbm>>, %arg4: memref<16x8x4096xf32, #tpu.memory_space<hbm>>, %arg5: memref<2x200x200xf32, #tpu.memory_space<vmem>>, %arg6: memref<2x32x2x128xf32, #tpu.memory_space<vmem>>, %arg7: memref<2x4096xf32, #tpu.memory_space<vmem>>, %arg8: memref<!tpu.dma_semaphore, #tpu.memory_space<semaphore_mem>>, %arg9: memref<!tpu.dma_semaphore, #tpu.memory_space<semaphore_mem>>) attributes {dimension_semantics = [#tpu.dimension_semantics<core_parallel>, #tpu.dimension_semantics<subcore_parallel>], iteration_bounds = array<i64: 2, 16>, scalar_prefetch = 0 : i64, scratch_operands = 5 : i64, tpu.core_type = #tpu.core_type<sc_vector_subcore>, window_params = [{transform_indices = #map}, {transform_indices = #map1}, {transform_indices = #map2}]} {
    %mul3A = arith.constant 2 : i32
    %mul3A_0 = arith.muli %arg1, %mul3A : i32
    %add3A = arith.addi %mul3A_0, %arg0 : i32
    %mul3A_1 = arith.constant 4 : i32
    %mul3A_2 = arith.muli %add3A, %mul3A_1 : i32
    %add3A_3 = arith.constant 0 : i32
    %add3A_4 = arith.addi %mul3A_2, %add3A_3 : i32
    %jit3A = arith.constant 8 : i32
    %div3A = arith.divsi %add3A_4, %jit3A : i32
    %sign3A = arith.constant 0 : i32
    %sign3A_5 = arith.cmpi sgt, %add3A_4, %sign3A : i32
    %sign3A_6 = arith.extui %sign3A_5 : i1 to i32
    %sign3A_7 = arith.constant 0 : i32
    %sign3A_8 = arith.cmpi slt, %add3A_4, %sign3A_7 : i32
    %sign3A_9 = arith.extui %sign3A_8 : i1 to i32
    %sign3A_10 = arith.subi %sign3A_6, %sign3A_9 : i32
    %sign3A_11 = arith.constant 0 : i32
    %sign3A_12 = arith.cmpi sgt, %jit3A, %sign3A_11 : i32
    %sign3A_13 = arith.extui %sign3A_12 : i1 to i32
    %sign3A_14 = arith.constant 0 : i32
    %sign3A_15 = arith.cmpi slt, %jit3A, %sign3A_14 : i32
    %sign3A_16 = arith.extui %sign3A_15 : i1 to i32
    %sign3A_17 = arith.subi %sign3A_13, %sign3A_16 : i32
    %ne3A = arith.cmpi ne, %sign3A_10, %sign3A_17 : i32
    %rem3A = arith.remsi %add3A_4, %jit3A : i32
    %ne3A_18 = arith.constant 0 : i32
    %ne3A_19 = arith.cmpi ne, %rem3A, %ne3A_18 : i32
    %and3A = arith.andi %ne3A, %ne3A_19 : i1
    %sub3A = arith.constant 1 : i32
    %sub3A_20 = arith.subi %div3A, %sub3A : i32
    %select_n3A = arith.select %and3A, %sub3A_20, %div3A : i32
    %jit3A_21 = arith.constant 8 : i32
    %eq3A = arith.constant 0 : i32
    %eq3A_22 = arith.cmpi eq, %jit3A_21, %eq3A : i32
    %jit3A_23 = arith.constant 1 : i32
    %select_n3A_24 = arith.select %eq3A_22, %jit3A_23, %jit3A_21 : i32
    %rem3A_25 = arith.remsi %add3A_4, %select_n3A_24 : i32
    %ne3A_26 = arith.constant 0 : i32
    %ne3A_27 = arith.cmpi ne, %rem3A_25, %ne3A_26 : i32
    %lt3A = arith.constant 0 : i32
    %lt3A_28 = arith.cmpi slt, %rem3A_25, %lt3A : i32
    %lt3A_29 = arith.constant 0 : i32
    %lt3A_30 = arith.cmpi slt, %select_n3A_24, %lt3A_29 : i32
    %ne3A_31 = arith.xori %lt3A_28, %lt3A_30 : i1
    %and3A_32 = arith.andi %ne3A_31, %ne3A_27 : i1
    %add3A_33 = arith.addi %rem3A_25, %select_n3A_24 : i32
    %select_n3A_34 = arith.select %and3A_32, %add3A_33, %rem3A_25 : i32
    %dma_start3A = arith.constant 0 : i32
    %dma_start3A_35 = arith.constant 0 : i32
    %dma_start3A_36 = arith.constant 0 : i32
    %dma_start3A_37 = tpu.memref_slice %arg5[%dma_start3A, %dma_start3A_35, %dma_start3A_36] : memref<2x200x200xf32, #tpu.memory_space<vmem>> -> memref<1x200x200xf32, #tpu.memory_space<vmem>>
    %dma_start3A_38 = tpu.memref_squeeze %dma_start3A_37 : memref<1x200x200xf32, #tpu.memory_space<vmem>> -> memref<200x200xf32, #tpu.memory_space<vmem>>
    %dma_start3A_39 = arith.constant 0 : i32
    %dma_start3A_40 = arith.constant 0 : i32
    %dma_start3A_41 = tpu.memref_slice %arg3[%select_n3A, %select_n3A_34, %dma_start3A_39, %dma_start3A_40] : memref<16x8x200x200xf32, #tpu.memory_space<hbm>> -> memref<1x1x200x200xf32, #tpu.memory_space<hbm>>
    %dma_start3A_42 = tpu.memref_squeeze %dma_start3A_41 : memref<1x1x200x200xf32, #tpu.memory_space<hbm>> -> memref<200x200xf32, #tpu.memory_space<hbm>>
    %dma_start3A_43 = arith.constant 0 : i32
    %dma_start3A_44 = arith.constant 0 : i32
    %dma_start3A_45 = tpu.memref_slice %arg5[%dma_start3A, %dma_start3A_43, %dma_start3A_44] : memref<2x200x200xf32, #tpu.memory_space<vmem>> -> memref<1x200x200xf32, #tpu.memory_space<vmem>>
    %dma_start3A_46 = tpu.memref_squeeze %dma_start3A_45 : memref<1x200x200xf32, #tpu.memory_space<vmem>> -> memref<200x200xf32, #tpu.memory_space<vmem>>
    %dma_start3A_47 = arith.constant 0 : i32
    %dma_start3A_48 = arith.constant 0 : i32
    %dma_start3A_49 = tpu.memref_slice %arg3[%select_n3A, %select_n3A_34, %dma_start3A_47, %dma_start3A_48] : memref<16x8x200x200xf32, #tpu.memory_space<hbm>> -> memref<1x1x200x200xf32, #tpu.memory_space<hbm>>
    %dma_start3A_50 = tpu.memref_squeeze %dma_start3A_49 : memref<1x1x200x200xf32, #tpu.memory_space<hbm>> -> memref<200x200xf32, #tpu.memory_space<hbm>>
    tpu.enqueue_dma source(%dma_start3A_50 : memref<200x200xf32, #tpu.memory_space<hbm>>) target(%dma_start3A_46 : memref<200x200xf32, #tpu.memory_space<vmem>>) target_semaphore(%arg8 : memref<!tpu.dma_semaphore, #tpu.memory_space<semaphore_mem>>)
    %dma_start3A_51 = arith.constant 0 : i32
    %dma_start3A_52 = arith.constant 0 : i32
    %dma_start3A_53 = arith.constant 0 : i32
    %dma_start3A_54 = arith.constant 0 : i32
    %dma_start3A_55 = tpu.memref_slice %arg6[%dma_start3A_51, %dma_start3A_52, %dma_start3A_53, %dma_start3A_54] : memref<2x32x2x128xf32, #tpu.memory_space<vmem>> -> memref<1x32x2x128xf32, #tpu.memory_space<vmem>>
    %dma_start3A_56 = tpu.memref_squeeze %dma_start3A_55 : memref<1x32x2x128xf32, #tpu.memory_space<vmem>> -> memref<32x2x128xf32, #tpu.memory_space<vmem>>
    %dma_start3A_57 = arith.constant 0 : i32
    %dma_start3A_58 = arith.constant 0 : i32
    %dma_start3A_59 = arith.constant 0 : i32
    %dma_start3A_60 = tpu.memref_slice %arg2[%select_n3A, %select_n3A_34, %dma_start3A_57, %dma_start3A_58, %dma_start3A_59] : memref<16x8x32x2x128xf32, #tpu.memory_space<hbm>> -> memref<1x1x32x2x128xf32, #tpu.memory_space<hbm>>
    %dma_start3A_61 = tpu.memref_squeeze %dma_start3A_60 : memref<1x1x32x2x128xf32, #tpu.memory_space<hbm>> -> memref<32x2x128xf32, #tpu.memory_space<hbm>>
    %dma_start3A_62 = arith.constant 0 : i32
    %dma_start3A_63 = arith.constant 0 : i32
    %dma_start3A_64 = arith.constant 0 : i32
    %dma_start3A_65 = tpu.memref_slice %arg6[%dma_start3A_51, %dma_start3A_62, %dma_start3A_63, %dma_start3A_64] : memref<2x32x2x128xf32, #tpu.memory_space<vmem>> -> memref<1x32x2x128xf32, #tpu.memory_space<vmem>>
    %dma_start3A_66 = tpu.memref_squeeze %dma_start3A_65 : memref<1x32x2x128xf32, #tpu.memory_space<vmem>> -> memref<32x2x128xf32, #tpu.memory_space<vmem>>
    %dma_start3A_67 = arith.constant 0 : i32
    %dma_start3A_68 = arith.constant 0 : i32
    %dma_start3A_69 = arith.constant 0 : i32
    %dma_start3A_70 = tpu.memref_slice %arg2[%select_n3A, %select_n3A_34, %dma_start3A_67, %dma_start3A_68, %dma_start3A_69] : memref<16x8x32x2x128xf32, #tpu.memory_space<hbm>> -> memref<1x1x32x2x128xf32, #tpu.memory_space<hbm>>
    %dma_start3A_71 = tpu.memref_squeeze %dma_start3A_70 : memref<1x1x32x2x128xf32, #tpu.memory_space<hbm>> -> memref<32x2x128xf32, #tpu.memory_space<hbm>>
    tpu.enqueue_dma source(%dma_start3A_71 : memref<32x2x128xf32, #tpu.memory_space<hbm>>) target(%dma_start3A_66 : memref<32x2x128xf32, #tpu.memory_space<vmem>>) target_semaphore(%arg8 : memref<!tpu.dma_semaphore, #tpu.memory_space<semaphore_mem>>)
    %scan3A = arith.constant 0 : i32
    %scan3A_72 = arith.constant 0 : i32
    %scan3A_73 = arith.constant 4 : i32
    %scan3A_74 = arith.addi %scan3A_72, %scan3A_73 : i32
    %scan3A_75 = arith.constant 1 : i32
    %scan3A_76 = scf.for %scan3A_107 = %scan3A_72 to %scan3A_74 step %scan3A_75 iter_args(%scan3A_108 = %scan3A) -> (i32)  : i32 {
      %and3A_109 = arith.constant 1 : i32
      %and3A_110 = arith.andi %scan3A_107, %and3A_109 : i32
      %add3A_111 = arith.addi %mul3A_2, %scan3A_107 : i32
      %jit3A_112 = arith.constant 8 : i32
      %div3A_113 = arith.divsi %add3A_111, %jit3A_112 : i32
      %sign3A_114 = arith.constant 0 : i32
      %sign3A_115 = arith.cmpi sgt, %add3A_111, %sign3A_114 : i32
      %sign3A_116 = arith.extui %sign3A_115 : i1 to i32
      %sign3A_117 = arith.constant 0 : i32
      %sign3A_118 = arith.cmpi slt, %add3A_111, %sign3A_117 : i32
      %sign3A_119 = arith.extui %sign3A_118 : i1 to i32
      %sign3A_120 = arith.subi %sign3A_116, %sign3A_119 : i32
      %sign3A_121 = arith.constant 0 : i32
      %sign3A_122 = arith.cmpi sgt, %jit3A_112, %sign3A_121 : i32
      %sign3A_123 = arith.extui %sign3A_122 : i1 to i32
      %sign3A_124 = arith.constant 0 : i32
      %sign3A_125 = arith.cmpi slt, %jit3A_112, %sign3A_124 : i32
      %sign3A_126 = arith.extui %sign3A_125 : i1 to i32
      %sign3A_127 = arith.subi %sign3A_123, %sign3A_126 : i32
      %ne3A_128 = arith.cmpi ne, %sign3A_120, %sign3A_127 : i32
      %rem3A_129 = arith.remsi %add3A_111, %jit3A_112 : i32
      %ne3A_130 = arith.constant 0 : i32
      %ne3A_131 = arith.cmpi ne, %rem3A_129, %ne3A_130 : i32
      %and3A_132 = arith.andi %ne3A_128, %ne3A_131 : i1
      %sub3A_133 = arith.constant 1 : i32
      %sub3A_134 = arith.subi %div3A_113, %sub3A_133 : i32
      %select_n3A_135 = arith.select %and3A_132, %sub3A_134, %div3A_113 : i32
      %jit3A_136 = arith.constant 8 : i32
      %eq3A_137 = arith.constant 0 : i32
      %eq3A_138 = arith.cmpi eq, %jit3A_136, %eq3A_137 : i32
      %jit3A_139 = arith.constant 1 : i32
      %select_n3A_140 = arith.select %eq3A_138, %jit3A_139, %jit3A_136 : i32
      %rem3A_141 = arith.remsi %add3A_111, %select_n3A_140 : i32
      %ne3A_142 = arith.constant 0 : i32
      %ne3A_143 = arith.cmpi ne, %rem3A_141, %ne3A_142 : i32
      %lt3A_144 = arith.constant 0 : i32
      %lt3A_145 = arith.cmpi slt, %rem3A_141, %lt3A_144 : i32
      %lt3A_146 = arith.constant 0 : i32
      %lt3A_147 = arith.cmpi slt, %select_n3A_140, %lt3A_146 : i32
      %ne3A_148 = arith.xori %lt3A_145, %lt3A_147 : i1
      %and3A_149 = arith.andi %ne3A_148, %ne3A_143 : i1
      %add3A_150 = arith.addi %rem3A_141, %select_n3A_140 : i32
      %select_n3A_151 = arith.select %and3A_149, %add3A_150, %rem3A_141 : i32
      %dma_wait3A_152 = arith.constant 0 : i32
      %dma_wait3A_153 = arith.constant 0 : i32
      %dma_wait3A_154 = arith.constant 0 : i32
      %dma_wait3A_155 = arith.constant 0 : i32
      %dma_wait3A_156 = tpu.memref_slice %arg5[%and3A_110, %dma_wait3A_154, %dma_wait3A_155] : memref<2x200x200xf32, #tpu.memory_space<vmem>> -> memref<1x200x200xf32, #tpu.memory_space<vmem>>
      %dma_wait3A_157 = tpu.memref_squeeze %dma_wait3A_156 : memref<1x200x200xf32, #tpu.memory_space<vmem>> -> memref<200x200xf32, #tpu.memory_space<vmem>>
      %dma_wait3A_158 = arith.constant 0 : i32
      %dma_wait3A_159 = arith.constant 0 : i32
      %dma_wait3A_160 = tpu.memref_slice %arg3[%dma_wait3A_152, %dma_wait3A_153, %dma_wait3A_158, %dma_wait3A_159] : memref<16x8x200x200xf32, #tpu.memory_space<hbm>> -> memref<1x1x200x200xf32, #tpu.memory_space<hbm>>
      %dma_wait3A_161 = tpu.memref_squeeze %dma_wait3A_160 : memref<1x1x200x200xf32, #tpu.memory_space<hbm>> -> memref<200x200xf32, #tpu.memory_space<hbm>>
      %dma_wait3A_162 = arith.constant 0 : i32
      %dma_wait3A_163 = arith.constant 0 : i32
      %dma_wait3A_164 = tpu.memref_slice %arg5[%and3A_110, %dma_wait3A_162, %dma_wait3A_163] : memref<2x200x200xf32, #tpu.memory_space<vmem>> -> memref<1x200x200xf32, #tpu.memory_space<vmem>>
      %dma_wait3A_165 = tpu.memref_squeeze %dma_wait3A_164 : memref<1x200x200xf32, #tpu.memory_space<vmem>> -> memref<200x200xf32, #tpu.memory_space<vmem>>
      %dma_wait3A_166 = arith.constant 0 : i32
      %dma_wait3A_167 = arith.constant 0 : i32
      %dma_wait3A_168 = tpu.memref_slice %arg3[%dma_wait3A_152, %dma_wait3A_153, %dma_wait3A_166, %dma_wait3A_167] : memref<16x8x200x200xf32, #tpu.memory_space<hbm>> -> memref<1x1x200x200xf32, #tpu.memory_space<hbm>>
      %dma_wait3A_169 = tpu.memref_squeeze %dma_wait3A_168 : memref<1x1x200x200xf32, #tpu.memory_space<hbm>> -> memref<200x200xf32, #tpu.memory_space<hbm>>
      tpu.wait_dma2 semaphore(%arg8 : memref<!tpu.dma_semaphore, #tpu.memory_space<semaphore_mem>>) src(%dma_wait3A_169 : memref<200x200xf32, #tpu.memory_space<hbm>>) dst(%dma_wait3A_165 : memref<200x200xf32, #tpu.memory_space<vmem>>)
      %dma_wait3A_170 = arith.constant 0 : i32
      %dma_wait3A_171 = arith.constant 0 : i32
      %dma_wait3A_172 = arith.constant 0 : i32
      %dma_wait3A_173 = arith.constant 0 : i32
      %dma_wait3A_174 = arith.constant 0 : i32
      %dma_wait3A_175 = tpu.memref_slice %arg6[%and3A_110, %dma_wait3A_172, %dma_wait3A_173, %dma_wait3A_174] : memref<2x32x2x128xf32, #tpu.memory_space<vmem>> -> memref<1x32x2x128xf32, #tpu.memory_space<vmem>>
      %dma_wait3A_176 = tpu.memref_squeeze %dma_wait3A_175 : memref<1x32x2x128xf32, #tpu.memory_space<vmem>> -> memref<32x2x128xf32, #tpu.memory_space<vmem>>
      %dma_wait3A_177 = arith.constant 0 : i32
      %dma_wait3A_178 = arith.constant 0 : i32
      %dma_wait3A_179 = arith.constant 0 : i32
      %dma_wait3A_180 = tpu.memref_slice %arg2[%dma_wait3A_170, %dma_wait3A_171, %dma_wait3A_177, %dma_wait3A_178, %dma_wait3A_179] : memref<16x8x32x2x128xf32, #tpu.memory_space<hbm>> -> memref<1x1x32x2x128xf32, #tpu.memory_space<hbm>>
      %dma_wait3A_181 = tpu.memref_squeeze %dma_wait3A_180 : memref<1x1x32x2x128xf32, #tpu.memory_space<hbm>> -> memref<32x2x128xf32, #tpu.memory_space<hbm>>
      %dma_wait3A_182 = arith.constant 0 : i32
      %dma_wait3A_183 = arith.constant 0 : i32
      %dma_wait3A_184 = arith.constant 0 : i32
      %dma_wait3A_185 = tpu.memref_slice %arg6[%and3A_110, %dma_wait3A_182, %dma_wait3A_183, %dma_wait3A_184] : memref<2x32x2x128xf32, #tpu.memory_space<vmem>> -> memref<1x32x2x128xf32, #tpu.memory_space<vmem>>
      %dma_wait3A_186 = tpu.memref_squeeze %dma_wait3A_185 : memref<1x32x2x128xf32, #tpu.memory_space<vmem>> -> memref<32x2x128xf32, #tpu.memory_space<vmem>>
      %dma_wait3A_187 = arith.constant 0 : i32
      %dma_wait3A_188 = arith.constant 0 : i32
      %dma_wait3A_189 = arith.constant 0 : i32
      %dma_wait3A_190 = tpu.memref_slice %arg2[%dma_wait3A_170, %dma_wait3A_171, %dma_wait3A_187, %dma_wait3A_188, %dma_wait3A_189] : memref<16x8x32x2x128xf32, #tpu.memory_space<hbm>> -> memref<1x1x32x2x128xf32, #tpu.memory_space<hbm>>
      %dma_wait3A_191 = tpu.memref_squeeze %dma_wait3A_190 : memref<1x1x32x2x128xf32, #tpu.memory_space<hbm>> -> memref<32x2x128xf32, #tpu.memory_space<hbm>>
      tpu.wait_dma2 semaphore(%arg8 : memref<!tpu.dma_semaphore, #tpu.memory_space<semaphore_mem>>) src(%dma_wait3A_191 : memref<32x2x128xf32, #tpu.memory_space<hbm>>) dst(%dma_wait3A_186 : memref<32x2x128xf32, #tpu.memory_space<vmem>>)
      %add3A_192 = arith.constant 1 : i32
      %add3A_193 = arith.addi %scan3A_107, %add3A_192 : i32
      %lt3A_194 = arith.constant 4 : i32
      %lt3A_195 = arith.cmpi slt, %add3A_193, %lt3A_194 : i32
      %convert_element_type3A = arith.extui %lt3A_195 : i1 to i32
      %cond3A = arith.constant 0 : i32
      %cond3A_196 = arith.cmpi ne, %convert_element_type3A, %cond3A : i32
      scf.if %cond3A_196 {
        %add3A_216 = arith.constant 1 : i32
        %add3A_217 = arith.addi %scan3A_107, %add3A_216 : i32
        %add3A_218 = arith.constant 1 : i32
        %add3A_219 = arith.addi %scan3A_107, %add3A_218 : i32
        %and3A_220 = arith.constant 1 : i32
        %and3A_221 = arith.andi %add3A_219, %and3A_220 : i32
        %add3A_222 = arith.addi %mul3A_2, %add3A_217 : i32
        %jit3A_223 = arith.constant 8 : i32
        %div3A_224 = arith.divsi %add3A_222, %jit3A_223 : i32
        %sign3A_225 = arith.constant 0 : i32
        %sign3A_226 = arith.cmpi sgt, %add3A_222, %sign3A_225 : i32
        %sign3A_227 = arith.extui %sign3A_226 : i1 to i32
        %sign3A_228 = arith.constant 0 : i32
        %sign3A_229 = arith.cmpi slt, %add3A_222, %sign3A_228 : i32
        %sign3A_230 = arith.extui %sign3A_229 : i1 to i32
        %sign3A_231 = arith.subi %sign3A_227, %sign3A_230 : i32
        %sign3A_232 = arith.constant 0 : i32
        %sign3A_233 = arith.cmpi sgt, %jit3A_223, %sign3A_232 : i32
        %sign3A_234 = arith.extui %sign3A_233 : i1 to i32
        %sign3A_235 = arith.constant 0 : i32
        %sign3A_236 = arith.cmpi slt, %jit3A_223, %sign3A_235 : i32
        %sign3A_237 = arith.extui %sign3A_236 : i1 to i32
        %sign3A_238 = arith.subi %sign3A_234, %sign3A_237 : i32
        %ne3A_239 = arith.cmpi ne, %sign3A_231, %sign3A_238 : i32
        %rem3A_240 = arith.remsi %add3A_222, %jit3A_223 : i32
        %ne3A_241 = arith.constant 0 : i32
        %ne3A_242 = arith.cmpi ne, %rem3A_240, %ne3A_241 : i32
        %and3A_243 = arith.andi %ne3A_239, %ne3A_242 : i1
        %sub3A_244 = arith.constant 1 : i32
        %sub3A_245 = arith.subi %div3A_224, %sub3A_244 : i32
        %select_n3A_246 = arith.select %and3A_243, %sub3A_245, %div3A_224 : i32
        %jit3A_247 = arith.constant 8 : i32
        %eq3A_248 = arith.constant 0 : i32
        %eq3A_249 = arith.cmpi eq, %jit3A_247, %eq3A_248 : i32
        %jit3A_250 = arith.constant 1 : i32
        %select_n3A_251 = arith.select %eq3A_249, %jit3A_250, %jit3A_247 : i32
        %rem3A_252 = arith.remsi %add3A_222, %select_n3A_251 : i32
        %ne3A_253 = arith.constant 0 : i32
        %ne3A_254 = arith.cmpi ne, %rem3A_252, %ne3A_253 : i32
        %lt3A_255 = arith.constant 0 : i32
        %lt3A_256 = arith.cmpi slt, %rem3A_252, %lt3A_255 : i32
        %lt3A_257 = arith.constant 0 : i32
        %lt3A_258 = arith.cmpi slt, %select_n3A_251, %lt3A_257 : i32
        %ne3A_259 = arith.xori %lt3A_256, %lt3A_258 : i1
        %and3A_260 = arith.andi %ne3A_259, %ne3A_254 : i1
        %add3A_261 = arith.addi %rem3A_252, %select_n3A_251 : i32
        %select_n3A_262 = arith.select %and3A_260, %add3A_261, %rem3A_252 : i32
        %dma_start3A_263 = arith.constant 0 : i32
        %dma_start3A_264 = arith.constant 0 : i32
        %dma_start3A_265 = tpu.memref_slice %arg5[%and3A_221, %dma_start3A_263, %dma_start3A_264] : memref<2x200x200xf32, #tpu.memory_space<vmem>> -> memref<1x200x200xf32, #tpu.memory_space<vmem>>
        %dma_start3A_266 = tpu.memref_squeeze %dma_start3A_265 : memref<1x200x200xf32, #tpu.memory_space<vmem>> -> memref<200x200xf32, #tpu.memory_space<vmem>>
        %dma_start3A_267 = arith.constant 0 : i32
        %dma_start3A_268 = arith.constant 0 : i32
        %dma_start3A_269 = tpu.memref_slice %arg3[%select_n3A_246, %select_n3A_262, %dma_start3A_267, %dma_start3A_268] : memref<16x8x200x200xf32, #tpu.memory_space<hbm>> -> memref<1x1x200x200xf32, #tpu.memory_space<hbm>>
        %dma_start3A_270 = tpu.memref_squeeze %dma_start3A_269 : memref<1x1x200x200xf32, #tpu.memory_space<hbm>> -> memref<200x200xf32, #tpu.memory_space<hbm>>
        %dma_start3A_271 = arith.constant 0 : i32
        %dma_start3A_272 = arith.constant 0 : i32
        %dma_start3A_273 = tpu.memref_slice %arg5[%and3A_221, %dma_start3A_271, %dma_start3A_272] : memref<2x200x200xf32, #tpu.memory_space<vmem>> -> memref<1x200x200xf32, #tpu.memory_space<vmem>>
        %dma_start3A_274 = tpu.memref_squeeze %dma_start3A_273 : memref<1x200x200xf32, #tpu.memory_space<vmem>> -> memref<200x200xf32, #tpu.memory_space<vmem>>
        %dma_start3A_275 = arith.constant 0 : i32
        %dma_start3A_276 = arith.constant 0 : i32
        %dma_start3A_277 = tpu.memref_slice %arg3[%select_n3A_246, %select_n3A_262, %dma_start3A_275, %dma_start3A_276] : memref<16x8x200x200xf32, #tpu.memory_space<hbm>> -> memref<1x1x200x200xf32, #tpu.memory_space<hbm>>
        %dma_start3A_278 = tpu.memref_squeeze %dma_start3A_277 : memref<1x1x200x200xf32, #tpu.memory_space<hbm>> -> memref<200x200xf32, #tpu.memory_space<hbm>>
        tpu.enqueue_dma source(%dma_start3A_278 : memref<200x200xf32, #tpu.memory_space<hbm>>) target(%dma_start3A_274 : memref<200x200xf32, #tpu.memory_space<vmem>>) target_semaphore(%arg8 : memref<!tpu.dma_semaphore, #tpu.memory_space<semaphore_mem>>)
        %dma_start3A_279 = arith.constant 0 : i32
        %dma_start3A_280 = arith.constant 0 : i32
        %dma_start3A_281 = arith.constant 0 : i32
        %dma_start3A_282 = tpu.memref_slice %arg6[%and3A_221, %dma_start3A_279, %dma_start3A_280, %dma_start3A_281] : memref<2x32x2x128xf32, #tpu.memory_space<vmem>> -> memref<1x32x2x128xf32, #tpu.memory_space<vmem>>
        %dma_start3A_283 = tpu.memref_squeeze %dma_start3A_282 : memref<1x32x2x128xf32, #tpu.memory_space<vmem>> -> memref<32x2x128xf32, #tpu.memory_space<vmem>>
        %dma_start3A_284 = arith.constant 0 : i32
        %dma_start3A_285 = arith.constant 0 : i32
        %dma_start3A_286 = arith.constant 0 : i32
        %dma_start3A_287 = tpu.memref_slice %arg2[%select_n3A_246, %select_n3A_262, %dma_start3A_284, %dma_start3A_285, %dma_start3A_286] : memref<16x8x32x2x128xf32, #tpu.memory_space<hbm>> -> memref<1x1x32x2x128xf32, #tpu.memory_space<hbm>>
        %dma_start3A_288 = tpu.memref_squeeze %dma_start3A_287 : memref<1x1x32x2x128xf32, #tpu.memory_space<hbm>> -> memref<32x2x128xf32, #tpu.memory_space<hbm>>
        %dma_start3A_289 = arith.constant 0 : i32
        %dma_start3A_290 = arith.constant 0 : i32
        %dma_start3A_291 = arith.constant 0 : i32
        %dma_start3A_292 = tpu.memref_slice %arg6[%and3A_221, %dma_start3A_289, %dma_start3A_290, %dma_start3A_291] : memref<2x32x2x128xf32, #tpu.memory_space<vmem>> -> memref<1x32x2x128xf32, #tpu.memory_space<vmem>>
        %dma_start3A_293 = tpu.memref_squeeze %dma_start3A_292 : memref<1x32x2x128xf32, #tpu.memory_space<vmem>> -> memref<32x2x128xf32, #tpu.memory_space<vmem>>
        %dma_start3A_294 = arith.constant 0 : i32
        %dma_start3A_295 = arith.constant 0 : i32
        %dma_start3A_296 = arith.constant 0 : i32
        %dma_start3A_297 = tpu.memref_slice %arg2[%select_n3A_246, %select_n3A_262, %dma_start3A_294, %dma_start3A_295, %dma_start3A_296] : memref<16x8x32x2x128xf32, #tpu.memory_space<hbm>> -> memref<1x1x32x2x128xf32, #tpu.memory_space<hbm>>
        %dma_start3A_298 = tpu.memref_squeeze %dma_start3A_297 : memref<1x1x32x2x128xf32, #tpu.memory_space<hbm>> -> memref<32x2x128xf32, #tpu.memory_space<hbm>>
        tpu.enqueue_dma source(%dma_start3A_298 : memref<32x2x128xf32, #tpu.memory_space<hbm>>) target(%dma_start3A_293 : memref<32x2x128xf32, #tpu.memory_space<vmem>>) target_semaphore(%arg8 : memref<!tpu.dma_semaphore, #tpu.memory_space<semaphore_mem>>)
      } else {
      }
      %ge3A = arith.constant 2 : i32
      %ge3A_197 = arith.cmpi sge, %scan3A_107, %ge3A : i32
      %convert_element_type3A_198 = arith.extui %ge3A_197 : i1 to i32
      %cond3A_199 = arith.constant 0 : i32
      %cond3A_200 = arith.cmpi ne, %convert_element_type3A_198, %cond3A_199 : i32
      scf.if %cond3A_200 {
        %dma_wait3A_216 = arith.constant 0 : i32
        %dma_wait3A_217 = arith.constant 0 : i32
        %dma_wait3A_218 = arith.constant 0 : i32
        %dma_wait3A_219 = tpu.memref_slice %arg7[%and3A_110, %dma_wait3A_218] : memref<2x4096xf32, #tpu.memory_space<vmem>> -> memref<1x4096xf32, #tpu.memory_space<vmem>>
        %dma_wait3A_220 = tpu.memref_squeeze %dma_wait3A_219 : memref<1x4096xf32, #tpu.memory_space<vmem>> -> memref<4096xf32, #tpu.memory_space<vmem>>
        %dma_wait3A_221 = arith.constant 0 : i32
        %dma_wait3A_222 = tpu.memref_slice %arg4[%dma_wait3A_216, %dma_wait3A_217, %dma_wait3A_221] : memref<16x8x4096xf32, #tpu.memory_space<hbm>> -> memref<1x1x4096xf32, #tpu.memory_space<hbm>>
        %dma_wait3A_223 = tpu.memref_squeeze %dma_wait3A_222 : memref<1x1x4096xf32, #tpu.memory_space<hbm>> -> memref<4096xf32, #tpu.memory_space<hbm>>
        %dma_wait3A_224 = arith.constant 0 : i32
        %dma_wait3A_225 = tpu.memref_slice %arg4[%dma_wait3A_216, %dma_wait3A_217, %dma_wait3A_224] : memref<16x8x4096xf32, #tpu.memory_space<hbm>> -> memref<1x1x4096xf32, #tpu.memory_space<hbm>>
        %dma_wait3A_226 = tpu.memref_squeeze %dma_wait3A_225 : memref<1x1x4096xf32, #tpu.memory_space<hbm>> -> memref<4096xf32, #tpu.memory_space<hbm>>
        %dma_wait3A_227 = arith.constant 0 : i32
        %dma_wait3A_228 = tpu.memref_slice %arg7[%and3A_110, %dma_wait3A_227] : memref<2x4096xf32, #tpu.memory_space<vmem>> -> memref<1x4096xf32, #tpu.memory_space<vmem>>
        %dma_wait3A_229 = tpu.memref_squeeze %dma_wait3A_228 : memref<1x4096xf32, #tpu.memory_space<vmem>> -> memref<4096xf32, #tpu.memory_space<vmem>>
        tpu.wait_dma2 semaphore(%arg9 : memref<!tpu.dma_semaphore, #tpu.memory_space<semaphore_mem>>) src(%dma_wait3A_229 : memref<4096xf32, #tpu.memory_space<vmem>>) dst(%dma_wait3A_226 : memref<4096xf32, #tpu.memory_space<hbm>>)
      } else {
      }
      %parallel_loop3A = arith.constant 0 : i32
      %parallel_loop3A_201 = arith.constant 256 : i32
      %parallel_loop3A_202 = arith.constant 1 : i32
      scf.for %parallel_loop3A_216 = %parallel_loop3A to %parallel_loop3A_201 step %parallel_loop3A_202  : i32 {
        %parallel_loop3A_217 = arith.constant 8 : i32
        %parallel_loop3A_218 = arith.divsi %parallel_loop3A_216, %parallel_loop3A_217 : i32
        %parallel_loop3A_219 = arith.constant 0 : i32
        %parallel_loop3A_220 = arith.cmpi sgt, %parallel_loop3A_216, %parallel_loop3A_219 : i32
        %parallel_loop3A_221 = arith.extui %parallel_loop3A_220 : i1 to i32
        %parallel_loop3A_222 = arith.constant 0 : i32
        %parallel_loop3A_223 = arith.cmpi slt, %parallel_loop3A_216, %parallel_loop3A_222 : i32
        %parallel_loop3A_224 = arith.extui %parallel_loop3A_223 : i1 to i32
        %parallel_loop3A_225 = arith.subi %parallel_loop3A_221, %parallel_loop3A_224 : i32
        %parallel_loop3A_226 = arith.constant 0 : i32
        %parallel_loop3A_227 = arith.cmpi sgt, %parallel_loop3A_217, %parallel_loop3A_226 : i32
        %parallel_loop3A_228 = arith.extui %parallel_loop3A_227 : i1 to i32
        %parallel_loop3A_229 = arith.constant 0 : i32
        %parallel_loop3A_230 = arith.cmpi slt, %parallel_loop3A_217, %parallel_loop3A_229 : i32
        %parallel_loop3A_231 = arith.extui %parallel_loop3A_230 : i1 to i32
        %parallel_loop3A_232 = arith.subi %parallel_loop3A_228, %parallel_loop3A_231 : i32
        %parallel_loop3A_233 = arith.cmpi ne, %parallel_loop3A_225, %parallel_loop3A_232 : i32
        %parallel_loop3A_234 = arith.remsi %parallel_loop3A_216, %parallel_loop3A_217 : i32
        %parallel_loop3A_235 = arith.constant 0 : i32
        %parallel_loop3A_236 = arith.cmpi ne, %parallel_loop3A_234, %parallel_loop3A_235 : i32
        %parallel_loop3A_237 = arith.andi %parallel_loop3A_233, %parallel_loop3A_236 : i1
        %parallel_loop3A_238 = arith.constant 1 : i32
        %parallel_loop3A_239 = arith.subi %parallel_loop3A_218, %parallel_loop3A_238 : i32
        %parallel_loop3A_240 = arith.select %parallel_loop3A_237, %parallel_loop3A_239, %parallel_loop3A_218 : i32
        %parallel_loop3A_241 = arith.constant 8 : i32
        %parallel_loop3A_242 = arith.constant 0 : i32
        %parallel_loop3A_243 = arith.cmpi eq, %parallel_loop3A_241, %parallel_loop3A_242 : i32
        %parallel_loop3A_244 = arith.constant 1 : i32
        %parallel_loop3A_245 = arith.select %parallel_loop3A_243, %parallel_loop3A_244, %parallel_loop3A_241 : i32
        %parallel_loop3A_246 = arith.remsi %parallel_loop3A_216, %parallel_loop3A_245 : i32
        %parallel_loop3A_247 = arith.constant 0 : i32
        %parallel_loop3A_248 = arith.cmpi ne, %parallel_loop3A_246, %parallel_loop3A_247 : i32
        %parallel_loop3A_249 = arith.constant 0 : i32
        %parallel_loop3A_250 = arith.cmpi slt, %parallel_loop3A_246, %parallel_loop3A_249 : i32
        %parallel_loop3A_251 = arith.constant 0 : i32
        %parallel_loop3A_252 = arith.cmpi slt, %parallel_loop3A_245, %parallel_loop3A_251 : i32
        %parallel_loop3A_253 = arith.xori %parallel_loop3A_250, %parallel_loop3A_252 : i1
        %parallel_loop3A_254 = arith.andi %parallel_loop3A_253, %parallel_loop3A_248 : i1
        %parallel_loop3A_255 = arith.addi %parallel_loop3A_246, %parallel_loop3A_245 : i32
        %parallel_loop3A_256 = arith.select %parallel_loop3A_254, %parallel_loop3A_255, %parallel_loop3A_246 : i32
        %parallel_loop3A_257 = arith.constant 16 : i32
        %parallel_loop3A_258 = arith.muli %parallel_loop3A_256, %parallel_loop3A_257 : i32
        %parallel_loop3A_259 = arith.constant 0 : i32
        %parallel_loop3A_260 = arith.index_cast %and3A_110 : i32 to index
        %parallel_loop3A_261 = arith.index_cast %parallel_loop3A_240 : i32 to index
        %parallel_loop3A_262 = arith.index_cast %parallel_loop3A_259 : i32 to index
        %parallel_loop3A_263 = arith.index_cast %parallel_loop3A_258 : i32 to index
        %parallel_loop3A_264 = tpu.vector_load %arg6[%parallel_loop3A_260, %parallel_loop3A_261, %parallel_loop3A_262, %parallel_loop3A_263] {strides = array<i32>} : memref<2x32x2x128xf32, #tpu.memory_space<vmem>>, vector<16xf32>,
        %parallel_loop3A_265 = arith.constant 1 : i32
        %parallel_loop3A_266 = arith.index_cast %and3A_110 : i32 to index
        %parallel_loop3A_267 = arith.index_cast %parallel_loop3A_240 : i32 to index
        %parallel_loop3A_268 = arith.index_cast %parallel_loop3A_265 : i32 to index
        %parallel_loop3A_269 = arith.index_cast %parallel_loop3A_258 : i32 to index
        %parallel_loop3A_270 = tpu.vector_load %arg6[%parallel_loop3A_266, %parallel_loop3A_267, %parallel_loop3A_268, %parallel_loop3A_269] {strides = array<i32>} : memref<2x32x2x128xf32, #tpu.memory_space<vmem>>, vector<16xf32>,
        %parallel_loop3A_271 = arith.constant 4.975000e+01 : f32
        %parallel_loop3A_272 = vector.broadcast %parallel_loop3A_271 : f32 to vector<16xf32>
        %parallel_loop3A_273 = arith.addf %parallel_loop3A_264, %parallel_loop3A_272 : vector<16xf32>
        %parallel_loop3A_274 = arith.constant 2.000000e+00 : f32
        %parallel_loop3A_275 = vector.broadcast %parallel_loop3A_274 : f32 to vector<16xf32>
        %parallel_loop3A_276 = arith.mulf %parallel_loop3A_273, %parallel_loop3A_275 : vector<16xf32>
        %parallel_loop3A_277 = arith.constant 0.000000e+00 : f32
        %parallel_loop3A_278 = arith.constant 1.990000e+02 : f32
        %parallel_loop3A_279 = vector.broadcast %parallel_loop3A_277 : f32 to vector<16xf32>
        %parallel_loop3A_280 = arith.maximumf %parallel_loop3A_279, %parallel_loop3A_276 : vector<16xf32>
        %parallel_loop3A_281 = vector.broadcast %parallel_loop3A_278 : f32 to vector<16xf32>
        %parallel_loop3A_282 = arith.minimumf %parallel_loop3A_281, %parallel_loop3A_280 : vector<16xf32>
        %parallel_loop3A_283 = arith.fptosi %parallel_loop3A_282 : vector<16xf32> to vector<16xi32>
        %parallel_loop3A_284 = arith.constant 4.975000e+01 : f32
        %parallel_loop3A_285 = vector.broadcast %parallel_loop3A_284 : f32 to vector<16xf32>
        %parallel_loop3A_286 = arith.addf %parallel_loop3A_270, %parallel_loop3A_285 : vector<16xf32>
        %parallel_loop3A_287 = arith.constant 2.000000e+00 : f32
        %parallel_loop3A_288 = vector.broadcast %parallel_loop3A_287 : f32 to vector<16xf32>
        %parallel_loop3A_289 = arith.mulf %parallel_loop3A_286, %parallel_loop3A_288 : vector<16xf32>
        %parallel_loop3A_290 = arith.constant 0.000000e+00 : f32
        %parallel_loop3A_291 = arith.constant 1.990000e+02 : f32
        %parallel_loop3A_292 = vector.broadcast %parallel_loop3A_290 : f32 to vector<16xf32>
        %parallel_loop3A_293 = arith.maximumf %parallel_loop3A_292, %parallel_loop3A_289 : vector<16xf32>
        %parallel_loop3A_294 = vector.broadcast %parallel_loop3A_291 : f32 to vector<16xf32>
        %parallel_loop3A_295 = arith.minimumf %parallel_loop3A_294, %parallel_loop3A_293 : vector<16xf32>
        %parallel_loop3A_296 = arith.fptosi %parallel_loop3A_295 : vector<16xf32> to vector<16xi32>
        %parallel_loop3A_297 = arith.constant 0 : i32
        %parallel_loop3A_298 = arith.constant 0 : i32
        %parallel_loop3A_299 = tpu.memref_slice %arg5[%and3A_110, %parallel_loop3A_297, %parallel_loop3A_298] : memref<2x200x200xf32, #tpu.memory_space<vmem>> -> memref<1x200x200xf32, #tpu.memory_space<vmem>>
        %parallel_loop3A_300 = tpu.memref_squeeze %parallel_loop3A_299 : memref<1x200x200xf32, #tpu.memory_space<vmem>> -> memref<200x200xf32, #tpu.memory_space<vmem>>
        %parallel_loop3A_301 = tpu.vector_load_idx %parallel_loop3A_300[%parallel_loop3A_296, %parallel_loop3A_283] : memref<200x200xf32, #tpu.memory_space<vmem>>[vector<16xi32>, vector<16xi32>], vector<16xf32>,
        %parallel_loop3A_302 = arith.constant 16 : i32
        %parallel_loop3A_303 = arith.muli %parallel_loop3A_216, %parallel_loop3A_302 : i32
        %parallel_loop3A_304 = arith.index_cast %and3A_110 : i32 to index
        %parallel_loop3A_305 = arith.index_cast %parallel_loop3A_303 : i32 to index
        %parallel_loop3A_306 = tpu.vector_load %arg7[%parallel_loop3A_304, %parallel_loop3A_305] {strides = array<i32>} : memref<2x4096xf32, #tpu.memory_space<vmem>>, vector<16xf32>,
        tpu.vector_store %arg7[%parallel_loop3A_304, %parallel_loop3A_305], %parallel_loop3A_301 {strides = array<i32>} : memref<2x4096xf32, #tpu.memory_space<vmem>>, vector<16xf32>,
      } {sc.loop_unroll_factor = 2 : i64, sc.parallel_access}
      %dma_start3A_203 = arith.constant 0 : i32
      %dma_start3A_204 = tpu.memref_slice %arg7[%and3A_110, %dma_start3A_203] : memref<2x4096xf32, #tpu.memory_space<vmem>> -> memref<1x4096xf32, #tpu.memory_space<vmem>>
      %dma_start3A_205 = tpu.memref_squeeze %dma_start3A_204 : memref<1x4096xf32, #tpu.memory_space<vmem>> -> memref<4096xf32, #tpu.memory_space<vmem>>
      %dma_start3A_206 = arith.constant 0 : i32
      %dma_start3A_207 = tpu.memref_slice %arg4[%select_n3A_135, %select_n3A_151, %dma_start3A_206] : memref<16x8x4096xf32, #tpu.memory_space<hbm>> -> memref<1x1x4096xf32, #tpu.memory_space<hbm>>
      %dma_start3A_208 = tpu.memref_squeeze %dma_start3A_207 : memref<1x1x4096xf32, #tpu.memory_space<hbm>> -> memref<4096xf32, #tpu.memory_space<hbm>>
      %dma_start3A_209 = arith.constant 0 : i32
      %dma_start3A_210 = tpu.memref_slice %arg4[%select_n3A_135, %select_n3A_151, %dma_start3A_209] : memref<16x8x4096xf32, #tpu.memory_space<hbm>> -> memref<1x1x4096xf32, #tpu.memory_space<hbm>>
      %dma_start3A_211 = tpu.memref_squeeze %dma_start3A_210 : memref<1x1x4096xf32, #tpu.memory_space<hbm>> -> memref<4096xf32, #tpu.memory_space<hbm>>
      %dma_start3A_212 = arith.constant 0 : i32
      %dma_start3A_213 = tpu.memref_slice %arg7[%and3A_110, %dma_start3A_212] : memref<2x4096xf32, #tpu.memory_space<vmem>> -> memref<1x4096xf32, #tpu.memory_space<vmem>>
      %dma_start3A_214 = tpu.memref_squeeze %dma_start3A_213 : memref<1x4096xf32, #tpu.memory_space<vmem>> -> memref<4096xf32, #tpu.memory_space<vmem>>
      tpu.enqueue_dma source(%dma_start3A_214 : memref<4096xf32, #tpu.memory_space<vmem>>) target(%dma_start3A_211 : memref<4096xf32, #tpu.memory_space<hbm>>) target_semaphore(%arg9 : memref<!tpu.dma_semaphore, #tpu.memory_space<semaphore_mem>>)
      %scan3A_215 = arith.constant 0 : i32
      scf.yield %scan3A_215 : i32
    }
    %scan3A_77 = arith.constant 4 : i32
    %dma_wait3A = arith.constant 0 : i32
    %dma_wait3A_78 = arith.constant 0 : i32
    %dma_wait3A_79 = arith.constant 0 : i32
    %dma_wait3A_80 = arith.constant 0 : i32
    %dma_wait3A_81 = tpu.memref_slice %arg7[%dma_wait3A, %dma_wait3A_80] : memref<2x4096xf32, #tpu.memory_space<vmem>> -> memref<1x4096xf32, #tpu.memory_space<vmem>>
    %dma_wait3A_82 = tpu.memref_squeeze %dma_wait3A_81 : memref<1x4096xf32, #tpu.memory_space<vmem>> -> memref<4096xf32, #tpu.memory_space<vmem>>
    %dma_wait3A_83 = arith.constant 0 : i32
    %dma_wait3A_84 = tpu.memref_slice %arg4[%dma_wait3A_78, %dma_wait3A_79, %dma_wait3A_83] : memref<16x8x4096xf32, #tpu.memory_space<hbm>> -> memref<1x1x4096xf32, #tpu.memory_space<hbm>>
    %dma_wait3A_85 = tpu.memref_squeeze %dma_wait3A_84 : memref<1x1x4096xf32, #tpu.memory_space<hbm>> -> memref<4096xf32, #tpu.memory_space<hbm>>
    %dma_wait3A_86 = arith.constant 0 : i32
    %dma_wait3A_87 = tpu.memref_slice %arg4[%dma_wait3A_78, %dma_wait3A_79, %dma_wait3A_86] : memref<16x8x4096xf32, #tpu.memory_space<hbm>> -> memref<1x1x4096xf32, #tpu.memory_space<hbm>>
    %dma_wait3A_88 = tpu.memref_squeeze %dma_wait3A_87 : memref<1x1x4096xf32, #tpu.memory_space<hbm>> -> memref<4096xf32, #tpu.memory_space<hbm>>
    %dma_wait3A_89 = arith.constant 0 : i32
    %dma_wait3A_90 = tpu.memref_slice %arg7[%dma_wait3A, %dma_wait3A_89] : memref<2x4096xf32, #tpu.memory_space<vmem>> -> memref<1x4096xf32, #tpu.memory_space<vmem>>
    %dma_wait3A_91 = tpu.memref_squeeze %dma_wait3A_90 : memref<1x4096xf32, #tpu.memory_space<vmem>> -> memref<4096xf32, #tpu.memory_space<vmem>>
    tpu.wait_dma2 semaphore(%arg9 : memref<!tpu.dma_semaphore, #tpu.memory_space<semaphore_mem>>) src(%dma_wait3A_91 : memref<4096xf32, #tpu.memory_space<vmem>>) dst(%dma_wait3A_88 : memref<4096xf32, #tpu.memory_space<hbm>>)
    %dma_wait3A_92 = arith.constant 1 : i32
    %dma_wait3A_93 = arith.constant 0 : i32
    %dma_wait3A_94 = arith.constant 0 : i32
    %dma_wait3A_95 = arith.constant 0 : i32
    %dma_wait3A_96 = tpu.memref_slice %arg7[%dma_wait3A_92, %dma_wait3A_95] : memref<2x4096xf32, #tpu.memory_space<vmem>> -> memref<1x4096xf32, #tpu.memory_space<vmem>>
    %dma_wait3A_97 = tpu.memref_squeeze %dma_wait3A_96 : memref<1x4096xf32, #tpu.memory_space<vmem>> -> memref<4096xf32, #tpu.memory_space<vmem>>
    %dma_wait3A_98 = arith.constant 0 : i32
    %dma_wait3A_99 = tpu.memref_slice %arg4[%dma_wait3A_93, %dma_wait3A_94, %dma_wait3A_98] : memref<16x8x4096xf32, #tpu.memory_space<hbm>> -> memref<1x1x4096xf32, #tpu.memory_space<hbm>>
    %dma_wait3A_100 = tpu.memref_squeeze %dma_wait3A_99 : memref<1x1x4096xf32, #tpu.memory_space<hbm>> -> memref<4096xf32, #tpu.memory_space<hbm>>
    %dma_wait3A_101 = arith.constant 0 : i32
    %dma_wait3A_102 = tpu.memref_slice %arg4[%dma_wait3A_93, %dma_wait3A_94, %dma_wait3A_101] : memref<16x8x4096xf32, #tpu.memory_space<hbm>> -> memref<1x1x4096xf32, #tpu.memory_space<hbm>>
    %dma_wait3A_103 = tpu.memref_squeeze %dma_wait3A_102 : memref<1x1x4096xf32, #tpu.memory_space<hbm>> -> memref<4096xf32, #tpu.memory_space<hbm>>
    %dma_wait3A_104 = arith.constant 0 : i32
    %dma_wait3A_105 = tpu.memref_slice %arg7[%dma_wait3A_92, %dma_wait3A_104] : memref<2x4096xf32, #tpu.memory_space<vmem>> -> memref<1x4096xf32, #tpu.memory_space<vmem>>
    %dma_wait3A_106 = tpu.memref_squeeze %dma_wait3A_105 : memref<1x4096xf32, #tpu.memory_space<vmem>> -> memref<4096xf32, #tpu.memory_space<vmem>>
    tpu.wait_dma2 semaphore(%arg9 : memref<!tpu.dma_semaphore, #tpu.memory_space<semaphore_mem>>) src(%dma_wait3A_106 : memref<4096xf32, #tpu.memory_space<vmem>>) dst(%dma_wait3A_103 : memref<4096xf32, #tpu.memory_space<hbm>>)
    return
  }
}

</mosaic_0001>

<sc_bundles>
// kernel: kernel.3.cloned.1.call-start
scs
__scs_entry_jumppad:
0x0: {  	(pc) =	sbr.rel $0x88, $3  }
0x1: {  	(tag) =	ssettag $0x0;
	lr =	simm.s32 $0x1  }
0x2: {  	[smem:$0x3F9F] =	sst lr;
	_ =	strace $0xD0000000  }
0x3: {  	_ = 	snop  }
0x4: {  	_ = 	snop  }
0x5: {  	_ = 	snop  }
0x6: {  	_ = 	snop  }
0x7: {  	_ = 	snop  }
__scs_overlays_trampoline_lowered:
0x8: {  	[smem:$0x3FAE] =	sst s0  }
0x9: {  	[smem:$0x3FAF] =	sst s1  }
0xa: {  	[smem:$0x3FB0] =	sst s2  }
0xb: {  	[smem:$0x3FB1] =	sst s3  }
0xc: {  	[smem:$0x3FB2] =	sst s4  }
0xd: {  	[smem:$0x3FB3] =	sst s5  }
0xe: {  	[smem:$0x3FB4] =	sst s6  }
0xf: {  	[smem:$0x3FB5] =	sst s7  }
0x10: {  	[smem:$0x3FB6] =	sst s8  }
0x11: {  	[smem:$0x3FB7] =	sst s9;
	s0 =	simm.s32 @!p0 $0x0  }
0x12: {  	s1 =	sld [smem:$0x3F9D];
	s0 =	simm.s32 @p0 $0x1  }
0x13: {  	[smem:$0x3FB8] =	sst s0;
	s0 =	simm.s32 @!p1 $0x0  }
0x14: {  	s2 =	sld [smem:$0x3F9C];
	s0 =	simm.s32 @p1 $0x1  }
0x15: {  	[smem:$0x3FB9] =	sst s0;
	s0 =	simm.s32 @!p2 $0x0  }
0x16: {  	s3 =	sld [smem:$0x3FDB];
	s0 =	simm.s32 @p2 $0x1  }
0x17: {  	s4 =	simm.s32 $0x1BF5;
	[smem:$0x3FBB] =	sst s0  }
0x18: {  	s0 =	sld [smem:$0x3F9E];
	_ =	swait.ge [sflag:s4], $0x0  }
0x19: {  	s7 =	sld [smem:$0x3F9F]  }
0x1a: {  	s8 =	sadd.s32 $0xFFFFE003, lr  }
0x1b: {  	s9 =	sadd.s32 $0xFFFFFEF7, lr;
	s5 =	simm.s32 $0xFFFFFFFF;
	p2 =	slt.u32 s8, $0xFFFFF086  }
0x1c: {  	p1 =	slt.u32 s9, $0xF7A;
	s5 =	simm.s32 @!p2 $0x0  }
0x1d: {  	s5 =	simm.s32 @p1 $0x1;
	p0 =	seq.s32 s7, s2  }
0x1e: {  	s7 =	smul.u32 @!p0 $0xF7A, s2;
	p2 =	seq.s32 @!p0 s5, $0x0  }
0x1f: {  	s9 =	smul.u32 $0xF7A, s1;
	s8 =	simm.s32 @!p0 $0x1BF5;
	p2 =	por !p2, p0  }
0x20: {  	[sflag:s8] =	ssyncset.s32 @!p0 $0xFFFFF086;
	s6 =	sadd.s32 @!p0 s3, s7;
	s7 =	simm.s32 @!p0 $0x108  }
0x21: {  	s3 =	sadd.s32 s3, s9;
	s6 =	sadd.s32 @!p0 $0x88, s6;
	s7 =	simm.s32 @p2 $0x1082  }
0x22: {  	[simem:s7], [sflag:s8] =	dma.local @!p0 [hbm:s6], $0xF7A  }
0x23: {  	s9 =	sor.u32 $0xD0000000, s2;
	s6 =	simm.s32 $0x108;
	_ =	swait.ge @!p0 [sflag:s8], $0x0  }
0x24: {  	s3 =	sadd.s32 $0x88, s3;
	s6 =	simm.s32 @!p1 $0x1082;
	[sflag:s4] =	ssyncset.s32 $0xFFFFF086  }
0x25: {  	[simem:s6], [sflag:s4] =	dma.local [hbm:s3], $0xF7A  }
0x26: {  	[smem:$0x3F9F] =	sst s1;
	(tag) =	ssettag s2;
	_ =	strace s9  }
0x27: {  	s1 =	sld [smem:$0x3FAF]  }
0x28: {  	s2 =	sld [smem:$0x3FB0]  }
0x29: {  	s4 =	sld [smem:$0x3FB2]  }
0x2a: {  	p0 =	seq.s32 s5, $0x0;
	s5 =	sld [smem:$0x3FB3]  }
0x2b: {  	s6 =	sld [smem:$0x3FB4]  }
0x2c: {  	s7 =	sld [smem:$0x3FB5]  }
0x2d: {  	s3 =	simm.s32 $0x108;
	s8 =	sld [smem:$0x3FB6]  }
0x2e: {  	s3 =	simm.s32 @!p0 $0x1082;
	s9 =	sld [smem:$0x3FB7]  }
0x2f: {  	lr =	sadd.s32 s0, s3;
	s0 =	sld [smem:$0x3FAE]  }
0x30: {  	s3 =	sld [smem:$0x3FB1]  }
0x31: {  	[smem:$0x3FBA] =	sst s10  }
0x32: {  	s10 =	sld [smem:$0x3FB8];
	_ =	sdelay $0x3  }
0x33: {  	p0 =	seq.s32 s10, $0x1;
	s10 =	sld [smem:$0x3FBA];
	_ =	sdelay $0x3  }
0x34: {  	[smem:$0x3FBA] =	sst s10  }
0x35: {  	s10 =	sld [smem:$0x3FB9];
	_ =	sdelay $0x3  }
0x36: {  	p1 =	seq.s32 s10, $0x1;
	s10 =	sld [smem:$0x3FBA];
	_ =	sdelay $0x3  }
0x37: {  	[smem:$0x3FBA] =	sst s10  }
0x38: {  	s10 =	sld [smem:$0x3FBB]  }
0x39: {  	_ = 	snop;
	(pc) =	sbr.ind lr, $3  }
0x3a: {  	_ = 	snop  }
0x3b: {  	_ = 	snop  }
0x3c: {  	p2 =	seq.s32 s10, $0x1;
	s10 =	sld [smem:$0x3FBA]  }
0x3d: {  	_ =	shalt  }
0x3e: {  	_ =	shalt  }
0x3f: {  	_ =	shalt  }
0x40: {  	_ =	shalt  }
0x41: {  	_ =	shalt  }
0x42: {  	_ =	shalt  }
0x43: {  	_ =	shalt  }
0x44: {  	_ =	shalt  }
0x45: {  	_ =	shalt  }
0x46: {  	_ =	shalt  }
0x47: {  	_ =	shalt  }
0x48: {  	_ =	shalt  }
0x49: {  	_ =	shalt  }
0x4a: {  	_ =	shalt  }
0x4b: {  	_ =	shalt  }
0x4c: {  	_ =	shalt  }
0x4d: {  	_ =	shalt  }
0x4e: {  	_ =	shalt  }
0x4f: {  	_ =	shalt  }
0x50: {  	_ =	shalt  }
0x51: {  	_ =	shalt  }
0x52: {  	_ =	shalt  }
0x53: {  	_ =	shalt  }
0x54: {  	_ =	shalt  }
0x55: {  	_ =	shalt  }
0x56: {  	_ =	shalt  }
0x57: {  	_ =	shalt  }
0x58: {  	_ =	shalt  }
0x59: {  	_ =	shalt  }
0x5a: {  	_ =	shalt  }
0x5b: {  	_ =	shalt  }
0x5c: {  	_ =	shalt  }
0x5d: {  	_ =	shalt  }
0x5e: {  	_ =	shalt  }
0x5f: {  	_ =	shalt  }
0x60: {  	_ =	shalt  }
0x61: {  	_ =	shalt  }
0x62: {  	_ =	shalt  }
0x63: {  	_ =	shalt  }
0x64: {  	_ =	shalt  }
0x65: {  	_ =	shalt  }
0x66: {  	_ =	shalt  }
0x67: {  	_ =	shalt  }
0x68: {  	_ =	shalt  }
0x69: {  	_ =	shalt  }
0x6a: {  	_ =	shalt  }
0x6b: {  	_ =	shalt  }
0x6c: {  	_ =	shalt  }
0x6d: {  	_ =	shalt  }
0x6e: {  	_ =	shalt  }
0x6f: {  	_ =	shalt  }
0x70: {  	_ =	shalt  }
0x71: {  	_ =	shalt  }
0x72: {  	_ =	shalt  }
0x73: {  	_ =	shalt  }
0x74: {  	_ =	shalt  }
0x75: {  	_ =	shalt  }
0x76: {  	_ =	shalt  }
0x77: {  	_ =	shalt  }
0x78: {  	_ =	shalt  }
0x79: {  	_ =	shalt  }
0x7a: {  	_ =	shalt  }
0x7b: {  	_ =	shalt  }
0x7c: {  	_ =	shalt  }
0x7d: {  	_ =	shalt  }
0x7e: {  	_ =	shalt  }
0x7f: {  	_ =	shalt  }
0x80: {  	_ =	shalt  }
0x81: {  	_ =	shalt  }
0x82: {  	_ =	shalt  }
0x83: {  	_ =	shalt  }
0x84: {  	_ =	shalt  }
0x85: {  	_ =	shalt  }
0x86: {  	_ =	shalt  }
0x87: {  	_ =	shalt  }
.Lfunc_end0:
.L_simem_size_0:
called_computation_lowered:
.L_overlay_start_0:
0x88: {  	s2 =	sld [smem:$0x3FD9]  }
0x89: {  	s3 =	sld [smem:$0x3FFE];
	_ =	sdelay $0x1  }
0x8a: {  	s1 =	srdreg.scid  }
0x8b: {  	s0 =	sand.u32 $0x1, s1  }
0x8c: {  	s18 =	sshll.u32 s0, $0xA;
	s2 =	sadd.s32 s3, s2  }
0x8d: {  	s2 =	sadd.s32 s2, s18  }
0x8e: {  	[smem:$0x3FC6] =	sst s2  }
0x8f: {  	_ = 	snop  }
0x90: {  	s2 =	sld [smem:$0x3FC9]  }
0x91: {  	s19 =	sld [smem:$0x3FC8]  }
0x92: {  	s4 =	sld [smem:$0x3FD0];
	(tm) =	ssettm $0x1  }
0x93: {  	s5 =	sld [smem:$0x3FFB];
	_ =	sdelay $0x3  }
0x94: {  	_ =	strace s5  }
0x95: {  	s5 =	sld [smem:$0x3FFC];
	_ =	sdelay $0x3  }
0x96: {  	_ =	strace s5  }
0x97: {  	s5 =	sld [smem:$0x3FFD];
	_ =	sdelay $0x3  }
0x98: {  	_ =	strace s5  }
0x99: {  	_ =	strace $0x8FFFFFFF  }
0x9a: {  	s20 =	sld [smem:$0x3FDB];
	_ =	sdelay $0x1  }
0x9b: {  	s6 =	simm.s32 $_scs_section_size  }
0x9c: {  	s7 =	simm.s32 $_size__tile_overlayer_lowered;
	s8 =	simm.s32 $_tile_overlayer_lowered  }
0x9d: {  	s23 =	simm.s32 $0x1BFF;
	s22 =	sshll.u32 s8, $0x1;
	s5 =	sadd.s32 s6, s20  }
0x9e: {  	s9 =	simm.s32 $0x0;
	s21 =	sshll.u32 s7, $0x1;
	s7 =	sadd.s32 s22, s5  }
0x9f: {  	[timem:s9], [sflag:s23] =	dma.local [hbm:s7], s21  }
0xa0: {  	_ =	swait.ge [sflag:s23], s21  }
0xa1: {  	s6 =	ssub.s32 $0x0, s21;
	[sflag:s23] =	ssyncset.done $0x0  }
0xa2: {  	[sflag:s23] =	ssyncadd.s32 s6;
	_ =	sdelay $0x1  }
0xa3: {  	s24 =	simm.s32 $0x1B8B  }
0xa4: {  	_ =	swait.ge [sflag:s24], $0x1  }
0xa5: {  	[sflag:s24] =	ssyncset.done $0x0  }
0xa6: {  	s25 =	simm.s32 $0x1B8E;
	[sflag:s24] =	ssyncadd.s32 $0xFFFFFFFF  }
0xa7: {  	s26 =	simm.s32 $execute0_lowered;
	[smem:$0x3FD2] =	sst s25  }
0xa8: {  	s6 =	sshll.u32 s26, $0x1;
	_ =	strace $0x80000046;
	[dreg:$0x1] =	wrdreg $0xFFFFFFFF  }
0xa9: {  	s28 =	simm.s32 $_size_execute0_lowered;
	s5 =	sadd.s32 s5, s6;
	[dreg:$0x0] =	wrdreg $0x0  }
0xaa: {  	s6 =	sshll.u32 s28, $0x1;
	[dreg:$0x2] =	wrdreg s5  }
0xab: {  	[dreg:$0x3] =	wrdreg s6  }
0xac: {  	[dreg:$0x4] =	wrdreg $0xC0  }
0xad: {  	_ =	task [dreg:s9], $0x5FFFF  }
0xae: {  	[dreg:$0x1] =	wrdreg $0xFFFFFFFF  }
0xaf: {  	[dreg:$0x0] =	wrdreg $0x60  }
0xb0: {  	[dreg:$0x2] =	wrdreg s2  }
0xb1: {  	[dreg:$0x3] =	wrdreg s19  }
0xb2: {  	[dreg:$0x4] =	wrdreg s4  }
0xb3: {  	[dreg:$0x5] =	wrdreg $0x9  }
0xb4: {  	_ =	task.clear_ibuf [dreg:s9], $0x6FFFF;
	_ =	strace $0x90000046  }
0xb5: {  	s29 =	simm.s32 $0x9;
	_ =	strace $0x80000048  }
0xb6: {  	_ =	swait.ge [sflag:s29], $0x1  }
0xb7: {  	[sflag:s29] =	ssyncadd.s32 $0xFFFFFFFF  }
0xb8: {  	_ =	strace $0x90000048  }
0xb9: {  	_ =	sfence  }
0xba: {  	s30 =	sld [smem:$0x0];
	_ =	sdelay $0x2  }
0xbb: {  	s31 =	sshll.u32 s1, $0xD;
	s1 =	sshrl.u32 s1, $0x2  }
0xbc: {  	s3 =	sand.u32 $0x4000, s31;
	s1 =	sadd.s32 s1, s30  }
0xbd: {  	s0 =	sor.u32 s3, s0;
	s1 =	sshll.u32 s1, $0x11  }
0xbe: {  	s0 =	sor.u32 s1, s0  }
0xbf: {  	s0 =	sadd.s32 $0x8F2B, s0  }
0xc0: {  	[sflag:s0] =	ssyncadd.remote.s32 $0x1  }
0xc1: {  	_ =	sfence.sel $0xFFFF  }
0xc2: {  	[dreg:$0x0] =	wrdreg $0xFFFFFFFF;
	(pc) =	sbr.abs _section_cstart, $3  }
0xc3: {  	[dreg:$0x1] =	wrdreg $0xFFFFFFFF  }
0xc4: {  	_ =	task.clear_ibuf [dreg:s9], $0x2FFFF;
	_ =	strace $0x9FFFFFFF  }
0xc5: {  	(tm) =	ssettm $0x7FFFFFFF  }
tec
execute0_lowered:
.L_overlay_start_1:
0x0: {  	(tag) =	ssettag $0x1  }
0x1: {  	s1 =	srdreg.scid  }
0x2: {  	s0 =	stileid.u32;
	s7 =	sand.u32 $0x1, s1  }
0x3: {  	s2 =	sshll.u32 s0, $0x3;
	s1 =	sshll.u32 s7, $0x2  }
0x4: {  	s2 =	sor.u32 s1, s2  }
0x5: {  	p1 =	seq.s32 s7, $0x1;
	p0 =	seq.s32 s2, $0x0  }
0x6: {  	s3 =	rddreg [dreg:$0x0];
	p0 =	por !p0, !p1  }
0x7: {  	s5 =	rddreg [dreg:$0x1];
	s6 =	simm.s32 $0x1;
	p0 =	por !p0, !p0  }
0x8: {  	s10 =	rddreg [dreg:$0x2];
	s14 =	simm.s32 $0x0;
	s6 =	simm.s32 @!p0 $0x0  }
0x9: {  	s30 =	sshll.u32 s0, $0xC;
	s13 =	smul.u32 $0x32000, s7;
	s8 =	ssub.s32 s0, s6  }
0xa: {  	s9 =	ssub.s32 $0x2, s7;
	s28 =	sshll.u32 s7, $0xF;
	s11 =	smul.u32 $0x64000, s8  }
0xb: {  	s7 =	simm.s32 $0x1;
	s10 =	sadd.s32 s10, s30;
	s12 =	sshrl.u32 s9, $0x1  }
0xc: {  	s12 =	ssub.s32 s9, s12;
	s8 =	sshll.u32 s8, $0x10;
	s26 =	sadd.s32 s13, s11  }
0xd: {  	s6 =	simm.s32 $0x0;
	s11 =	sor.u32 s28, s8;
	s9 =	sshrl.u32 s26, $0x3  }
0xe: {  	[smem:$0x7FF] =	sst s6;
	s29 =	sshrl.u32 s11, $0x3;
	s4 =	sadd.s32 s5, s9  }
0xf: {  	_ =	strace $0x80000047;
	s31 =	sadd.s32 s3, s29;
	[dreg:$0x4] =	wrdreg s4  }
0x10: {  	s13 =	simm.s32 $0x2;
	s11 =	smax.u32 s12, $0x1;
	[dreg:$0x5] =	wrdreg s31  }
.LBB2_1:
0x11: {  	s0 =	rddreg [dreg:$0x4]  }
0x12: {  	s31 =	rddreg [dreg:$0x5]  }
0x13: {  	[tilespmem:s6], [sflag:$0x1] =	stream.linear.gather [hbm4b:s0+s6], $0xC800, $0x38;
	[tilespmem:$0x1F000] =	vst v63  }
0x14: {  	s4 =	simm.s32 $0x19000;
	p0 =	por $0x0, $0x0;
	s23 =	simm.s32 $0x0  }
0x15: {  	[tilespmem:s4], [sflag:$0x1] =	stream.linear.gather [hbm4b:s31+s6], $0x2000, $0x38;
	[tilespmem:$0x1F000] =	vst v63  }
.LBB2_3:
0x16: {  	s15 =	sadd.s32 $0x1, s23;
	p1 =	seq.s32 s23, $0x3  }
0x17: {  	s16 =	sadd.s32 @!p1 s2, s15  }
0x18: {  	_ =	swait.ge [sflag:s7], $0xC800;
	s17 =	sshrl.u32 @!p1 s16, $0x3  }
0x19: {  	s24 =	sand.u32 $0x1, s23;
	s16 =	sand.u32 @!p1 $0x7, s16;
	s18 =	smul.u32 @!p1 $0x64000, s17  }
0x1a: {  	s31 =	simm.s32 $0x0;
	[sflag:s7] =	ssyncset.done $0x0;
	s19 =	smul.u32 @!p1 $0xC800, s16  }
0x1b: {  	s20 =	sand.u32 @!p1 $0x1, s15;
	s21 =	simm.s32 @!p1 $0x0;
	[sflag:s7] =	ssyncadd.s32 $0xFFFF3800  }
0x1c: {  	_ =	swait.ge [sflag:s7], $0x2000;
	s18 =	sadd.s32 @!p1 s19, s18;
	s19 =	smul.u32 @!p1 $0x32000, s20  }
0x1d: {  	s16 =	sshll.u32 @!p1 s16, $0xA;
	[sflag:s7] =	ssyncset.done $0x0;
	s18 =	sshrl.u32 @!p1 s18, $0x3  }
0x1e: {  	[sflag:s7] =	ssyncadd.s32 $0xFFFFE000;
	s19 =	sshrl.u32 @!p1 s19, $0x2;
	s18 =	sadd.s32 @!p1 s5, s18  }
0x1f: {  	[tilespmem:s19], [sflag:$0x1] =	stream.linear.gather @!p1 [hbm4b:s18+s21], $0xC800, $0x38;
	[tilespmem:$0x1F000] =	vst v63  }
0x20: {  	s17 =	sshll.u32 @!p1 s17, $0xD;
	s16 =	sadd.s32 @!p1 s3, s16;
	s18 =	sshll.u32 @!p1 s20, $0xD  }
0x21: {  	p2 =	slt.u32 @!p1 s23, $0x2;
	s16 =	sadd.s32 @!p1 s17, s16;
	s18 =	sor.u32 @!p1 $0x19000, s18  }
0x22: {  	[tilespmem:s18], [sflag:$0x1] =	stream.linear.gather @!p1 [hbm4b:s16+s21], $0x2000, $0x38;
	[tilespmem:$0x1F000] =	vst v63  }
0x23: {  	s26 =	sshll.u32 s24, $0xD;
	s29 =	sand.u32 $0x1F00, s31;
	p1 =	por p1, !p2  }
0x24: {  	s17 =	sor.u32 $0x19000, s26;
	s26 =	sand.u32 $0x60, s31;
	_ =	swait.ge @p1 [sflag:s13], $0x1000  }
0x25: {  	s28 =	sor.u32 $0x10, s26;
	s16 =	sadd.s32 s29, s17;
	[sflag:s13] =	ssyncset.done @p1 $0x0  }
0x26: {  	s0 =	sadd.s32 s28, s16;
	[sflag:s13] =	ssyncadd.s32 @p1 $0xFFFFF000  }
0x27: {  	v0 =	vld [tilespmem:s0+$0x0]  }
0x28: {  	s8 =	simm.s32 $0x40;
	s16 =	sadd.s32 s26, s16;
	v1 =	vld [tilespmem:s0+$0x80]  }
0x29: {  	s4 =	simm.s32 $0x20;
	s19 =	sand.u32 $0x1F00, s8;
	v2 =	vld [tilespmem:s16+$0x0]  }
0x2a: {  	s9 =	sadd.s32 s19, s17;
	v3 =	vld [tilespmem:s16+$0x80];
	s16 =	sand.u32 $0x60, s4  }
0x2b: {  	s18 =	sor.u32 $0x10, s16;
	s20 =	sadd.s32 s16, s9  }
0x2c: {  	s12 =	sadd.s32 s18, s9;
	v9 =	vld [tilespmem:s20+$0x0]  }
0x2d: {  	v5 =	vld [tilespmem:s12+$0x0]  }
0x2e: {  	v6 =	vld [tilespmem:s12+$0x80];
	v0 =	vadd.f32 $4.975000000e+01, v0;
	v1 =	vadd.f32 $4.975000000e+01, v1  }
0x2f: {  	v2 =	vadd.f32 $4.975000000e+01, v2;
	v3 =	vadd.f32 $4.975000000e+01, v3  }
0x30: {  	v0 =	vadd.f32 v0, v0;
	v1 =	vadd.f32 v1, v1  }
0x31: {  	v2 =	vadd.f32 v2, v2;
	v3 =	vadd.f32 v3, v3  }
0x32: {  	v9 =	vadd.f32 $4.975000000e+01, v9;
	v5 =	vadd.f32 $4.975000000e+01, v5  }
0x33: {  	v6 =	vadd.f32 $4.975000000e+01, v6;
	v0 =	vmax.f32 v0, $0.0e+00;
	v1 =	vmax.f32 v1, $0.0e+00  }
0x34: {  	v2 =	vmax.f32 v2, $0.0e+00;
	v3 =	vmax.f32 v3, $0.0e+00;
	v9 =	vadd.f32 v9, v9  }
0x35: {  	v0 =	vmin.f32 v0, $1.990000000e+02;
	v1 =	vmin.f32 v1, $1.990000000e+02;
	v2 =	vmin.f32 v2, $1.990000000e+02  }
0x36: {  	v3 =	vmin.f32 v3, $1.990000000e+02;
	v0 =	vtrunc.f32 v0;
	v1 =	vtrunc.f32 v1  }
0x37: {  	v5 =	vadd.f32 v5, v5;
	v2 =	vtrunc.f32 v2;
	v3 =	vtrunc.f32 v3  }
0x38: {  	s22 =	sshll.u32 s24, $0x7;
	v6 =	vadd.f32 v6, v6;
	v4 =	vcvt.f32.s32 v0;
	v1 =	vcvt.f32.s32 v1  }
0x39: {  	v0 =	vmov s22;
	v2 =	vcvt.f32.s32 v2;
	v5 =	vmax.f32 v5, $0.0e+00  }
0x3a: {  	v3 =	vcvt.f32.s32 v3;
	v6 =	vmax.f32 v6, $0.0e+00;
	v5 =	vmin.f32 v5, $1.990000000e+02  }
0x3b: {  	v6 =	vmin.f32 v6, $1.990000000e+02;
	v7 =	vshll.u32 v1, $0x8;
	v8 =	vshll.u32 v4, $0x3  }
0x3c: {  	v1 =	vshll.u32 v1, $0x7;
	v7 =	vand.u32 $0xFFFFF800, v7;
	v8 =	vand.u32 $0xFFFFFC00, v8  }
0x3d: {  	v4 =	vand.u32 $0x7F, v4;
	v1 =	vand.u32 $0x380, v1;
	v7 =	vadd.s32 v8, v7  }
0x3e: {  	v5 =	vtrunc.f32 v5;
	v6 =	vtrunc.f32 v6;
	v1 =	vor.u32 v1, v7;
	v7 =	vld [tilespmem:s20+$0x80]  }
0x3f: {  	v5 =	vcvt.f32.s32 v5;
	v6 =	vcvt.f32.s32 v6;
	v8 =	vshll.u32 v3, $0x8  }
0x40: {  	s25 =	simm.s32 $0x40;
	s31 =	simm.s32 $0x80;
	v4 =	vor.u32 v4, v1;
	v1 =	vand.u32 $0x7F, v2;
	v2 =	vshll.u32 v2, $0x3  }
0x41: {  	s21 =	sand.u32 $0x1F00, s31;
	v8 =	vand.u32 $0xFFFFF800, v8;
	s20 =	sand.u32 $0x60, s25;
	v10 =	vshll.u32 v5, $0x3;
	v2 =	vand.u32 $0xFFFFFC00, v2  }
0x42: {  	v3 =	vshll.u32 v3, $0x7;
	s25 =	sadd.s32 s21, s17;
	s22 =	sor.u32 $0x10, s20;
	v10 =	vand.u32 $0xFFFFFC00, v10;
	v2 =	vadd.s32 v2, v8  }
0x43: {  	s30 =	sadd.s32 s22, s25;
	v8 =	vmax.f32 v9, $0.0e+00;
	v9 =	vshll.u32 v6, $0x8;
	v7 =	vadd.f32 $4.975000000e+01, v7  }
0x44: {  	v11 =	vld [tilespmem:s30+$0x0];
	v6 =	vshll.u32 v6, $0x7;
	v9 =	vand.u32 $0xFFFFF800, v9;
	v8 =	vmin.f32 v8, $1.990000000e+02  }
0x45: {  	s25 =	sadd.s32 s20, s25;
	v6 =	vand.u32 $0x380, v6;
	v9 =	vadd.s32 v10, v9;
	v10 =	vld [tilespmem:s30+$0x80];
	v7 =	vadd.f32 v7, v7  }
0x46: {  	v3 =	vand.u32 $0x380, v3;
	v8 =	vtrunc.f32 v8;
	v6 =	vor.u32 v6, v9;
	v9 =	vld [tilespmem:s25+$0x0]  }
0x47: {  	s24 =	smul.u32 $0x32000, s24;
	v2 =	vor.u32 v3, v2;
	v8 =	vcvt.f32.s32 v8;
	v7 =	vmax.f32 v7, $0.0e+00  }
0x48: {  	v5 =	vand.u32 $0x7F, v5;
	v12 =	vor.u32 v1, v2;
	v7 =	vmin.f32 v7, $1.990000000e+02  }
0x49: {  	v3 =	vld [tilespmem:s25+$0x80];
	s25 =	sshrl.u32 s24, $0x2;
	v5 =	vor.u32 v5, v6;
	v1 =	vand.u32 $0x7F, v8;
	v7 =	vtrunc.f32 v7  }
0x4a: {  	v2 =	vshll.u32 v8, $0x3;
	v8 =	vld.idx.msk [tilespmem:v4+s25+$0x0], $0xffff;
	v4 =	vadd.f32 $4.975000000e+01, v11;
	v7 =	vcvt.f32.s32 v7  }
0x4b: {  	v6 =	vadd.f32 $4.975000000e+01, v10;
	v9 =	vadd.f32 $4.975000000e+01, v9  }
0x4c: {  	v2 =	vand.u32 $0xFFFFFC00, v2;
	v11 =	vadd.f32 v4, v4;
	v10 =	vshll.u32 v7, $0x8  }
0x4d: {  	s23 =	sadd.s32 s1, s23;
	s24 =	simm.s32 $0x1;
	v13 =	vadd.f32 v6, v6;
	v6 =	vadd.f32 v9, v9;
	v10 =	vand.u32 $0xFFFFF800, v10  }
0x4e: {  	s30 =	sadd.s32 $0x1D000, s29;
	s29 =	simm.s32 $0x4;
	s24 =	simm.s32 @!p0 $0x0;
	v9 =	vadd.f32 $4.975000000e+01, v3;
	v7 =	vshll.u32 v7, $0x7;
	v4 =	vadd.s32 v2, v10  }
0x4f: {  	s28 =	sor.u32 s28, s30;
	s26 =	sor.u32 s26, s30;
	s24 =	sshll.u32 s24, $0x7;
	v2 =	vld.idx.msk [tilespmem:v5+s25+$0x0], $0xffff;
	v10 =	vmax.f32 v11, $0.0e+00;
	v11 =	vmax.f32 v13, $0.0e+00;
	v5 =	vand.u32 $0x380, v7  }
0x50: {  	s30 =	simm.s32 $0xC0;
	s24 =	sor.u32 $0x1D000, s24;
	[tilespmem:v0+s28+$0x0 ss:$0x1] =	vst.idx.msk $0xffff, v8;
	v3 =	vld.idx.msk [tilespmem:v12+s25+$0x0], $0xffff;
	s28 =	simm.s32 $0x60;
	v7 =	vadd.f32 v9, v9;
	v8 =	vmin.f32 v10, $1.990000000e+02;
	v9 =	vmin.f32 v11, $1.990000000e+02  }
.LBB2_4:
0x51: {  	s31 =	sand.u32 $0x60, s28;
	s4 =	sand.u32 $0x1F00, s30;
	v6 =	vmax.f32 v6, $0.0e+00;
	v8 =	vtrunc.f32 v8;
	v9 =	vtrunc.f32 v9;
	s19 =	sadd.s32 $0x1D000, s19  }
0x52: {  	s29 =	sadd.s32 $0x2, s29;
	s0 =	sadd.s32 s4, s17;
	s12 =	sor.u32 $0x10, s31;
	v7 =	vmax.f32 v7, $0.0e+00;
	v8 =	vcvt.f32.s32 v8;
	v9 =	vcvt.f32.s32 v9  }
0x53: {  	v4 =	vor.u32 v5, v4;
	p1 =	slt.u32 s29, $0xFE;
	v6 =	vmin.f32 v6, $1.990000000e+02;
	s18 =	sor.u32 s18, s19;
	s8 =	sadd.s32 s12, s0;
	v7 =	vmin.f32 v7, $1.990000000e+02  }
0x54: {  	s9 =	sor.u32 s16, s19;
	s16 =	smov.u32 s20;
	s0 =	sadd.s32 s31, s0;
	v6 =	vtrunc.f32 v6;
	v5 =	vld [tilespmem:s8+$0x0];
	v10 =	vshll.u32 v9, $0x8;
	v11 =	vshll.u32 v8, $0x3;
	[tilespmem:v0+s18+$0x0 ss:$0x1] =	vst.idx.msk $0xffff, v2  }
0x55: {  	s20 =	smov.u32 s31;
	s19 =	smov.u32 s21;
	s21 =	smov.u32 s4;
	v9 =	vshll.u32 v9, $0x7;
	v2 =	vld [tilespmem:s8+$0x80];
	v10 =	vand.u32 $0xFFFFF800, v10;
	v11 =	vand.u32 $0xFFFFFC00, v11;
	[tilespmem:v0+s26+$0x0 ss:$0x1] =	vst.idx.msk $0xffff, v3  }
0x56: {  	v7 =	vtrunc.f32 v7;
	s18 =	smov.u32 s22;
	s22 =	smov.u32 s12;
	v9 =	vand.u32 $0x380, v9;
	s26 =	smov.u32 s9;
	v3 =	vld [tilespmem:s0+$0x0];
	v10 =	vadd.s32 v11, v10  }
0x57: {  	v6 =	vcvt.f32.s32 v6;
	v8 =	vand.u32 $0x7F, v8;
	v11 =	vld [tilespmem:s0+$0x80];
	v9 =	vor.u32 v9, v10  }
0x58: {  	v7 =	vcvt.f32.s32 v7;
	v8 =	vor.u32 v8, v9;
	v9 =	vor.u32 v1, v4  }
0x59: {  	v1 =	vand.u32 $0x7F, v6;
	v4 =	vshll.u32 v6, $0x3  }
0x5a: {  	v6 =	vshll.u32 v7, $0x8;
	v5 =	vadd.f32 $4.975000000e+01, v5;
	v2 =	vadd.f32 $4.975000000e+01, v2  }
.Ltmp0:
0x5b: {  	v10 =	vand.u32 $0xFFFFF800, v6;
	v4 =	vand.u32 $0xFFFFFC00, v4;
	v3 =	vadd.f32 $4.975000000e+01, v3;
	(pc) =	sbr.rel @p1 .LBB2_4-.Ltmp0, $4  }
0x5c: {  	v7 =	vshll.u32 v7, $0x7;
	v5 =	vadd.f32 v5, v5;
	v12 =	vadd.f32 v2, v2  }
0x5d: {  	v4 =	vadd.s32 v4, v10;
	v11 =	vadd.f32 $4.975000000e+01, v11;
	v6 =	vadd.f32 v3, v3;
	v2 =	vld.idx.msk [tilespmem:v8+s25+$0x0], $0xffff  }
0x5e: {  	v8 =	vmax.f32 v5, $0.0e+00;
	v5 =	vand.u32 $0x380, v7;
	v10 =	vmax.f32 v12, $0.0e+00;
	v3 =	vld.idx.msk [tilespmem:v9+s25+$0x0], $0xffff  }
0x5f: {  	s28 =	sadd.s32 $0x20, s28;
	s30 =	sadd.s32 $0x40, s30;
	v7 =	vadd.f32 v11, v11;
	v8 =	vmin.f32 v8, $1.990000000e+02;
	v9 =	vmin.f32 v10, $1.990000000e+02  }
0x60: {  	v6 =	vmax.f32 v6, $0.0e+00;
	v8 =	vtrunc.f32 v8;
	v9 =	vtrunc.f32 v9  }
0x61: {  	v7 =	vmax.f32 v7, $0.0e+00;
	v8 =	vcvt.f32.s32 v8;
	v9 =	vcvt.f32.s32 v9  }
0x62: {  	v4 =	vor.u32 v5, v4;
	v6 =	vmin.f32 v6, $1.990000000e+02;
	v7 =	vmin.f32 v7, $1.990000000e+02  }
0x63: {  	v56 =	vtrunc.f32 v6;
	v57 =	vshll.u32 v9, $0x8;
	v10 =	vshll.u32 v8, $0x3  }
0x64: {  	v7 =	vtrunc.f32 v7;
	v9 =	vshll.u32 v9, $0x7;
	v5 =	vcvt.f32.s32 v56  }
0x65: {  	v6 =	vand.u32 $0xFFFFF800, v57;
	v10 =	vand.u32 $0xFFFFFC00, v10;
	v7 =	vcvt.f32.s32 v7  }
0x66: {  	v1 =	vor.u32 v1, v4;
	v9 =	vand.u32 $0x380, v9;
	v6 =	vadd.s32 v10, v6  }
0x67: {  	v58 =	vshll.u32 v5, $0x3;
	v6 =	vor.u32 v9, v6;
	v59 =	vshll.u32 v7, $0x8  }
0x68: {  	v9 =	vand.u32 $0xFFFFFC00, v58;
	v7 =	vshll.u32 v7, $0x7;
	v10 =	vand.u32 $0xFFFFF800, v59  }
0x69: {  	v8 =	vand.u32 $0x7F, v8;
	v7 =	vand.u32 $0x380, v7;
	v60 =	vadd.s32 v9, v10  }
0x6a: {  	v61 =	vand.u32 $0x7F, v5;
	v6 =	vor.u32 v8, v6;
	v62 =	vor.u32 v7, v60  }
0x6b: {  	v4 =	vor.u32 v61, v62;
	_ =	sdelay $0x2  }
0x6c: {  	v1 =	vld.idx.msk [tilespmem:v1+s25+$0x0], $0xffff  }
0x6d: {  	s0 =	sadd.s32 $0x1D000, s19;
	v63 =	vld.idx.msk [tilespmem:v6+s25+$0x0], $0xffff  }
0x6e: {  	s4 =	sor.u32 s18, s0;
	v4 =	vld.idx.msk [tilespmem:v4+s25+$0x0], $0xffff  }
0x6f: {  	[tilespmem:v0+s4+$0x0 ss:$0x1] =	vst.idx.msk $0xffff, v2  }
0x70: {  	s30 =	sadd.s32 $0x1D000, s21;
	s0 =	sor.u32 s16, s0;
	[tilespmem:v0+s26+$0x0 ss:$0x1] =	vst.idx.msk $0xffff, v3  }
0x71: {  	s31 =	sshll.u32 s23, $0x4;
	s8 =	sor.u32 s22, s30;
	[tilespmem:v0+s0+$0x0 ss:$0x1] =	vst.idx.msk $0xffff, v1  }
0x72: {  	s16 =	sadd.s32 s31, s10;
	s4 =	sor.u32 s20, s30;
	[tilespmem:v0+s8+$0x0 ss:$0x1] =	vst.idx.msk $0xffff, v63  }
0x73: {  	s17 =	simm.s32 $0x80;
	s18 =	sadd.s32 $0x100, s24;
	s19 =	sadd.s32 $0x0, s16;
	[tilespmem:v0+s4+$0x0 ss:$0x1] =	vst.idx.msk $0xffff, v4  }
.LBB2_6:
0x74: {  	[hbm4b:s19+s6] =	stream.linear.scatter [tilespmem:s24], [sflag:$0x2], $0x80, $0x38;
	[tilespmem:$0x1F000] =	vst v63  }
0x75: {  	s0 =	smov.u32 s17;
	s24 =	smov.u32 s18;
	p1 =	seq.s32 s17, $0xF80  }
.Ltmp1:
0x76: {  	s17 =	sadd.s32 $0x80, s17;
	(pc) =	sbr.rel @!p1 .LBB2_6-.Ltmp1, $2  }
0x77: {  	_ =	sdelay $0x2  }
0x78: {  	s18 =	sadd.s32 $0x100, s18;
	s19 =	sadd.s32 s0, s16  }
0x79: {  	[hbm4b:s19+s6] =	stream.linear.scatter [tilespmem:s24], [sflag:$0x2], $0x80, $0x38;
	[tilespmem:$0x1F000] =	vst v63  }
0x7a: {  	p1 =	seq.s32 s15, $0x4  }
.Ltmp2:
0x7b: {  	_ = 	snop;
	(pc) =	sbr.rel @!p1 .LBB2_3-.Ltmp2, $2  }
0x7c: {  	_ =	sdelay $0x2  }
0x7d: {  	p0 =	por !p0, !p0;
	s23 =	smov.u32 s15  }
0x7e: {  	s14 =	sadd.s32 $0x1, s14  }
0x7f: {  	_ =	swait.ge [sflag:s13], $0x1000;
	p0 =	sne.s32 s14, s11  }
.Ltmp3:
0x80: {  	[sflag:s13] =	ssyncset.done $0x0;
	(pc) =	sbr.rel @p0 .LBB2_1-.Ltmp3, $4  }
0x81: {  	[sflag:s13] =	ssyncadd.s32 $0xFFFFF000  }
0x82: {  	_ =	swait.ge [sflag:s13], $0x1000  }
0x83: {  	[sflag:s13] =	ssyncset.done $0x0  }
0x84: {  	[sflag:s13] =	ssyncadd.s32 $0xFFFFF000  }
0x85: {  	_ =	sfence.sel $0x180000  }
0x86: {  	[bflag:$0x0] =	sbarrier.arrive $0xFFFF  }
0x87: {  	_ =	strace $0x90000047  }
0x88: {  	s0 =	stileid.u32;
	[bflag:$0x2] =	sbarrier.arrive $0xFFFF  }
0x89: {  	p0 =	sne.s32 s0, $0x0;
	s0 =	rddreg [dreg:$0x3]  }
0x8a: {  	s0 =	sadd.s32 @!p0 $0x100000, s0  }
0x8b: {  	[sflag:s0] =	ssyncadd.tile.s32 @!p0 $0x1;
	_ =	shalt  }
.Lfunc_end2:
_tile_overlayer_lowered:
.L_overlay_start_2:
0x8c: {  	(tag) =	ssettag $0x2  }
0x8d: {  	s0 =	rddreg [dreg:$0x0];
	s2 =	stileid.u32  }
0x8e: {  	s1 =	rddreg [dreg:$0x1];
	p0 =	sne.s32 s2, $0x0  }
0x8f: {  	s3 =	rddreg [dreg:$0x2];
	[bflag:$0x3] =	sbarrier.arrive $0xFFFF;
	s2 =	simm.s32 @!p0 $0x1C03  }
0x90: {  	[timem:s3], [sflag:s2] =	dma.local @!p0 [hbm:s0], s1  }
0x91: {  	s0 =	simm.s32 @!p0 $0x3  }
0x92: {  	_ =	swait.ge @!p0 [sflag:s0], s1  }
0x93: {  	s1 =	ssub.s32 @!p0 $0x0, s1;
	[sflag:s0] =	ssyncset.done @!p0 $0x0  }
0x94: {  	[sflag:s0] =	ssyncadd.s32 @!p0 s1  }
0x95: {  	[bflag:$0x3] =	sbarrier.arrive $0xFFFF  }
0x96: {  	_ =	shalt  }

</sc_bundles>
